<compile_context>
chip_gen: v7x
topology: tpu7x:2x2x1
jax: 0.10.2.dev20260603
libtpu: 0.0.44.dev20260713+nightly
codegen_flags: <defaults>
</compile_context>

<pallas_src>
import functools

import jax
import jax.numpy as jnp
from jax import lax
from jax.experimental import pallas as pl
from jax.experimental.pallas import tpu as pltpu
from jax.experimental.pallas import tpu_sc as plsc

_NC = 2
_NS = 16
_NW = _NC * _NS
_L = 16


@functools.lru_cache(maxsize=None)
def _make_sc_kernel(N, D, V, C):
    assert N % _NW == 0
    rows_per_tile = N // _NW
    assert rows_per_tile % C == 0
    nchunks = rows_per_tile // C
    assert nchunks % 2 == 0 and nchunks >= 4
    assert D % _L == 0 and (2 * C) % 8 == 0
    stage_tiles = next(nt for nt in range(_NS, 0, -1)
                       if V % nt == 0 and (V // nt) % 8 == 0)
    stage_rows = V // stage_tiles
    assert stage_rows <= 2 * C

    mesh = plsc.VectorSubcoreMesh(core_axis_name="c", subcore_axis_name="s")

    @functools.partial(
        pl.kernel,
        out_type=jax.ShapeDtypeStruct((N, D), jnp.float32),
        mesh=mesh,
        scratch_types=[
            pltpu.VMEM((2 * C,), jnp.int32),
            pltpu.VMEM((2 * C,), jnp.int32),
            pltpu.VMEM((2 * C, D), jnp.float32),
            pltpu.VMEM((2 * C, D), jnp.float32),
            pltpu.VMEM_SHARED((V, D), jnp.float32),
            pltpu.SemaphoreType.DMA,
            pltpu.SemaphoreType.DMA,
            pltpu.SemaphoreType.DMA,
            pltpu.SemaphoreType.DMA,
            pltpu.SemaphoreType.DMA,
            pltpu.SemaphoreType.DMA,
        ],
    )
    def k(idx_hbm, pe_hbm, out_hbm, ix0, ix1, br0, br1, pe_sh,
          si0, si1, sg0, sg1, so0, so1):
        sid = lax.axis_index("s")
        wid = sid * _NC + lax.axis_index("c")
        base = wid * rows_per_tile
        ibufs, rbufs = (ix0, ix1), (br0, br1)
        isems, gsems, osems = (si0, si1), (sg0, sg1), (so0, so1)

        srow = sid * stage_rows

        @pl.when(sid < stage_tiles)
        def _():
            pltpu.sync_copy(pe_hbm.at[pl.ds(srow, stage_rows)],
                            br0.at[pl.ds(0, stage_rows)])
            pltpu.sync_copy(br0.at[pl.ds(0, stage_rows)],
                            pe_sh.at[pl.ds(srow, stage_rows)])

        plsc.subcore_barrier()

        def fire_idx(t, p):
            src = idx_hbm.at[pl.ds(2 * (base + t * C), 2 * C)]
            pltpu.async_copy(src, ibufs[p], isems[p])

        def fire_gather(p):
            pltpu.async_copy(pe_sh.at[ibufs[p]], rbufs[p], gsems[p])

        def fire_out(t, p):
            pltpu.async_copy(rbufs[p].at[pl.ds(0, C)],
                             out_hbm.at[pl.ds(base + t * C, C)], osems[p])

        def wait_idx(p):
            pltpu.make_async_copy(idx_hbm.at[pl.ds(0, 2 * C)],
                                  ibufs[p], isems[p]).wait()

        def wait_gather(p):
            pltpu.make_async_copy(pe_sh.at[ibufs[p]],
                                  rbufs[p], gsems[p]).wait()

        def wait_out(p):
            pltpu.make_async_copy(rbufs[p].at[pl.ds(0, C)],
                                  out_hbm.at[pl.ds(base, C)], osems[p]).wait()

        pltpu.sync_copy(idx_hbm.at[pl.ds(2 * base, 2 * C)], ibufs[0])
        fire_gather(0)
        fire_idx(1, 1)

        def do_chunk(t, p):
            q = 1 - p
            wait_gather(p)

            @pl.when(t + 2 < nchunks)
            def _():
                fire_idx(t + 2, p)

            @pl.when(t + 1 < nchunks)
            def _():
                wait_idx(q)

                @pl.when(t >= 1)
                def _():
                    wait_out(q)

                fire_gather(q)

            def row(i, c2):
                for j in range(D // _L):
                    s = pl.ds(j * _L, _L)
                    plsc.addupdate(rbufs[p].at[i, s], rbufs[p][C + i, s])
                return c2

            lax.fori_loop(0, C, row, 0)
            fire_out(t, p)

        def two_chunks(kk, carry):
            do_chunk(2 * kk, 0)
            do_chunk(2 * kk + 1, 1)
            return carry

        lax.fori_loop(0, nchunks // 2, two_chunks, 0)
        wait_out(1)

    return k


def kernel(coords, pe):
    B, T, _ = coords.shape
    N = B * T
    D = pe.shape[1]
    C = 200
    idx_all = jnp.swapaxes(coords.reshape(N // C, C, 2), 1, 2).reshape(2 * N)
    out = _make_sc_kernel(N, D, pe.shape[0], C)(idx_all, pe)
    return out.reshape(B, T, D)

# --- scband reference (transcript-rebuilt; emitter-appended) ---
"""Pipeline reference for scband-positional-encoding2-d-22325240005361 (READ-ONLY COPY).

The authoritative reference and input builder live on the scoring server;
editing this copy changes nothing except your own understanding.
"""

import jax, jax.numpy as jnp
import numpy as np
import math

DIM = 128
MAX_LEN = 1000


def make_pe(dim, max_len):
    position = np.arange(0, max_len, dtype=np.float32)[:, None]
    div_term = np.exp(np.arange(0, dim, 2, dtype=np.float32) * (-math.log(10000.0) / dim))
    pe = np.zeros((max_len, dim), dtype=np.float32)
    pe[:, 0::2] = np.sin(position * div_term)
    pe[:, 1::2] = np.cos(position * div_term)
    return jnp.asarray(pe)


def setup_inputs(seed: int = 0) -> dict:
    key = jax.random.key(seed)
    coords = jax.random.randint(key, (4096, 200, 2), 0, MAX_LEN, dtype=jnp.int32)
    pe = make_pe(DIM, MAX_LEN)
    return {"coords": coords, "pe": pe}


def reference(coords, pe):
    # Faithful translation of PositionalEncoding2D.forward
    pe_x = jnp.take(pe, coords[..., 0], axis=0)
    pe_y = jnp.take(pe, coords[..., 1], axis=0)
    return pe_x + pe_y

if __name__ == "__main__":
    import jax
    _d = setup_inputs()
    print(jax.jit(kernel)(*tuple(_d.values())))

</pallas_src>

<mosaic_0001>
#map = affine_map<(d0, d1) -> (0)>
#map1 = affine_map<(d0, d1) -> (0, 0)>
module attributes {stable_mosaic.version = 14 : i64} {
  func.func @k(%arg0: i32, %arg1: i32, %arg2: memref<1638400xi32, #tpu.memory_space<hbm>>, %arg3: memref<1000x128xf32, #tpu.memory_space<hbm>>, %arg4: memref<819200x128xf32, #tpu.memory_space<hbm>>, %arg5: memref<400xi32, #tpu.memory_space<vmem>>, %arg6: memref<400xi32, #tpu.memory_space<vmem>>, %arg7: memref<400x128xf32, #tpu.memory_space<vmem>>, %arg8: memref<400x128xf32, #tpu.memory_space<vmem>>, %arg9: memref<1000x128xf32, #tpu.memory_space<vmem_shared>>, %arg10: memref<!tpu.dma_semaphore, #tpu.memory_space<semaphore_mem>>, %arg11: memref<!tpu.dma_semaphore, #tpu.memory_space<semaphore_mem>>, %arg12: memref<!tpu.dma_semaphore, #tpu.memory_space<semaphore_mem>>, %arg13: memref<!tpu.dma_semaphore, #tpu.memory_space<semaphore_mem>>, %arg14: memref<!tpu.dma_semaphore, #tpu.memory_space<semaphore_mem>>, %arg15: memref<!tpu.dma_semaphore, #tpu.memory_space<semaphore_mem>>) attributes {dimension_semantics = [#tpu.dimension_semantics<core_parallel>, #tpu.dimension_semantics<subcore_parallel>], iteration_bounds = array<i64: 2, 16>, scalar_prefetch = 0 : i64, scratch_operands = 11 : i64, tpu.core_type = #tpu.core_type<sc_vector_subcore>, window_params = [{transform_indices = #map}, {transform_indices = #map1}, {transform_indices = #map1}]} {
    %mul3A = arith.constant 2 : i32
    %mul3A_0 = arith.muli %arg1, %mul3A : i32
    %add3A = arith.addi %mul3A_0, %arg0 : i32
    %mul3A_1 = arith.constant 25600 : i32
    %mul3A_2 = arith.muli %add3A, %mul3A_1 : i32
    %mul3A_3 = arith.constant 200 : i32
    %mul3A_4 = arith.muli %arg1, %mul3A_3 : i32
    %lt3A = arith.constant 5 : i32
    %lt3A_5 = arith.cmpi slt, %arg1, %lt3A : i32
    %convert_element_type3A = arith.extui %lt3A_5 : i1 to i32
    %cond3A = arith.constant 0 : i32
    %cond3A_6 = arith.cmpi ne, %convert_element_type3A, %cond3A : i32
    scf.if %cond3A_6 {
      "tpu.region"() ({
        %run_scoped3A = tpu.sem_alloc : memref<!tpu.dma_semaphore, #tpu.memory_space<semaphore_mem>>
        %dma_start3A_31 = arith.constant 0 : i32
        %dma_start3A_32 = arith.constant 0 : i32
        %dma_start3A_33 = tpu.memref_slice %arg7[%dma_start3A_31, %dma_start3A_32] : memref<400x128xf32, #tpu.memory_space<vmem>> -> memref<200x128xf32, #tpu.memory_space<vmem>>
        %dma_start3A_34 = arith.constant 0 : i32
        %dma_start3A_35 = tpu.memref_slice %arg3[%mul3A_4, %dma_start3A_34] : memref<1000x128xf32, #tpu.memory_space<hbm>> -> memref<200x128xf32, #tpu.memory_space<hbm>>
        %dma_start3A_36 = arith.constant 0 : i32
        %dma_start3A_37 = arith.constant 0 : i32
        %dma_start3A_38 = tpu.memref_slice %arg7[%dma_start3A_36, %dma_start3A_37] : memref<400x128xf32, #tpu.memory_space<vmem>> -> memref<200x128xf32, #tpu.memory_space<vmem>>
        %dma_start3A_39 = arith.constant 0 : i32
        %dma_start3A_40 = tpu.memref_slice %arg3[%mul3A_4, %dma_start3A_39] : memref<1000x128xf32, #tpu.memory_space<hbm>> -> memref<200x128xf32, #tpu.memory_space<hbm>>
        tpu.enqueue_dma source(%dma_start3A_40 : memref<200x128xf32, #tpu.memory_space<hbm>>) target(%dma_start3A_38 : memref<200x128xf32, #tpu.memory_space<vmem>>) target_semaphore(%run_scoped3A : memref<!tpu.dma_semaphore, #tpu.memory_space<semaphore_mem>>)
        %dma_wait3A_41 = arith.constant 0 : i32
        %dma_wait3A_42 = arith.constant 0 : i32
        %dma_wait3A_43 = tpu.memref_slice %arg7[%dma_wait3A_41, %dma_wait3A_42] : memref<400x128xf32, #tpu.memory_space<vmem>> -> memref<200x128xf32, #tpu.memory_space<vmem>>
        %dma_wait3A_44 = arith.constant 0 : i32
        %dma_wait3A_45 = tpu.memref_slice %arg3[%mul3A_4, %dma_wait3A_44] : memref<1000x128xf32, #tpu.memory_space<hbm>> -> memref<200x128xf32, #tpu.memory_space<hbm>>
        %dma_wait3A_46 = arith.constant 0 : i32
        %dma_wait3A_47 = arith.constant 0 : i32
        %dma_wait3A_48 = tpu.memref_slice %arg7[%dma_wait3A_46, %dma_wait3A_47] : memref<400x128xf32, #tpu.memory_space<vmem>> -> memref<200x128xf32, #tpu.memory_space<vmem>>
        %dma_wait3A_49 = arith.constant 0 : i32
        %dma_wait3A_50 = tpu.memref_slice %arg3[%mul3A_4, %dma_wait3A_49] : memref<1000x128xf32, #tpu.memory_space<hbm>> -> memref<200x128xf32, #tpu.memory_space<hbm>>
        tpu.wait_dma2 semaphore(%run_scoped3A : memref<!tpu.dma_semaphore, #tpu.memory_space<semaphore_mem>>) src(%dma_wait3A_50 : memref<200x128xf32, #tpu.memory_space<hbm>>) dst(%dma_wait3A_48 : memref<200x128xf32, #tpu.memory_space<vmem>>)
        tpu.yield
      }) : () -> ()
      "tpu.region"() ({
        %run_scoped3A = tpu.sem_alloc : memref<!tpu.dma_semaphore, #tpu.memory_space<semaphore_mem>>
        %dma_start3A_31 = arith.constant 0 : i32
        %dma_start3A_32 = arith.constant 0 : i32
        %dma_start3A_33 = tpu.memref_slice %arg7[%dma_start3A_31, %dma_start3A_32] : memref<400x128xf32, #tpu.memory_space<vmem>> -> memref<200x128xf32, #tpu.memory_space<vmem>>
        %dma_start3A_34 = arith.constant 0 : i32
        %dma_start3A_35 = tpu.memref_slice %arg9[%mul3A_4, %dma_start3A_34] : memref<1000x128xf32, #tpu.memory_space<vmem_shared>> -> memref<200x128xf32, #tpu.memory_space<vmem_shared>>
        %dma_start3A_36 = arith.constant 0 : i32
        %dma_start3A_37 = tpu.memref_slice %arg9[%mul3A_4, %dma_start3A_36] : memref<1000x128xf32, #tpu.memory_space<vmem_shared>> -> memref<200x128xf32, #tpu.memory_space<vmem_shared>>
        %dma_start3A_38 = arith.constant 0 : i32
        %dma_start3A_39 = arith.constant 0 : i32
        %dma_start3A_40 = tpu.memref_slice %arg7[%dma_start3A_38, %dma_start3A_39] : memref<400x128xf32, #tpu.memory_space<vmem>> -> memref<200x128xf32, #tpu.memory_space<vmem>>
        tpu.enqueue_dma source(%dma_start3A_40 : memref<200x128xf32, #tpu.memory_space<vmem>>) target(%dma_start3A_37 : memref<200x128xf32, #tpu.memory_space<vmem_shared>>) target_semaphore(%run_scoped3A : memref<!tpu.dma_semaphore, #tpu.memory_space<semaphore_mem>>)
        %dma_wait3A_41 = arith.constant 0 : i32
        %dma_wait3A_42 = arith.constant 0 : i32
        %dma_wait3A_43 = tpu.memref_slice %arg7[%dma_wait3A_41, %dma_wait3A_42] : memref<400x128xf32, #tpu.memory_space<vmem>> -> memref<200x128xf32, #tpu.memory_space<vmem>>
        %dma_wait3A_44 = arith.constant 0 : i32
        %dma_wait3A_45 = tpu.memref_slice %arg9[%mul3A_4, %dma_wait3A_44] : memref<1000x128xf32, #tpu.memory_space<vmem_shared>> -> memref<200x128xf32, #tpu.memory_space<vmem_shared>>
        %dma_wait3A_46 = arith.constant 0 : i32
        %dma_wait3A_47 = tpu.memref_slice %arg9[%mul3A_4, %dma_wait3A_46] : memref<1000x128xf32, #tpu.memory_space<vmem_shared>> -> memref<200x128xf32, #tpu.memory_space<vmem_shared>>
        %dma_wait3A_48 = arith.constant 0 : i32
        %dma_wait3A_49 = arith.constant 0 : i32
        %dma_wait3A_50 = tpu.memref_slice %arg7[%dma_wait3A_48, %dma_wait3A_49] : memref<400x128xf32, #tpu.memory_space<vmem>> -> memref<200x128xf32, #tpu.memory_space<vmem>>
        tpu.wait_dma2 semaphore(%run_scoped3A : memref<!tpu.dma_semaphore, #tpu.memory_space<semaphore_mem>>) src(%dma_wait3A_50 : memref<200x128xf32, #tpu.memory_space<vmem>>) dst(%dma_wait3A_47 : memref<200x128xf32, #tpu.memory_space<vmem_shared>>)
        tpu.yield
      }) : () -> ()
    } else {
    }
    %barrier3A = arith.constant 0 : index
    tpu.barrier barrier_id(%barrier3A)
    %mul3A_7 = arith.constant 2 : i32
    %mul3A_8 = arith.muli %mul3A_7, %mul3A_2 : i32
    "tpu.region"() ({
      %run_scoped3A = tpu.sem_alloc : memref<!tpu.dma_semaphore, #tpu.memory_space<semaphore_mem>>
      %dma_start3A_31 = tpu.memref_slice %arg2[%mul3A_8] : memref<1638400xi32, #tpu.memory_space<hbm>> -> memref<400xi32, #tpu.memory_space<hbm>>
      %dma_start3A_32 = tpu.memref_slice %arg2[%mul3A_8] : memref<1638400xi32, #tpu.memory_space<hbm>> -> memref<400xi32, #tpu.memory_space<hbm>>
      tpu.enqueue_dma source(%dma_start3A_32 : memref<400xi32, #tpu.memory_space<hbm>>) target(%arg5 : memref<400xi32, #tpu.memory_space<vmem>>) target_semaphore(%run_scoped3A : memref<!tpu.dma_semaphore, #tpu.memory_space<semaphore_mem>>)
      %dma_wait3A_33 = tpu.memref_slice %arg2[%mul3A_8] : memref<1638400xi32, #tpu.memory_space<hbm>> -> memref<400xi32, #tpu.memory_space<hbm>>
      %dma_wait3A_34 = tpu.memref_slice %arg2[%mul3A_8] : memref<1638400xi32, #tpu.memory_space<hbm>> -> memref<400xi32, #tpu.memory_space<hbm>>
      tpu.wait_dma2 semaphore(%run_scoped3A : memref<!tpu.dma_semaphore, #tpu.memory_space<semaphore_mem>>) src(%dma_wait3A_34 : memref<400xi32, #tpu.memory_space<hbm>>) dst(%arg5 : memref<400xi32, #tpu.memory_space<vmem>>)
      tpu.yield
    }) : () -> ()
    %dma_start3A = arith.constant 0 : i32
    %dma_start3A_9 = arith.constant 0 : i32
    %dma_start3A_10 = tpu.memref_slice %arg9[%dma_start3A, %dma_start3A_9] : memref<1000x128xf32, #tpu.memory_space<vmem_shared>> -> memref<1000x128xf32, #tpu.memory_space<vmem_shared>>
    tpu.enqueue_indirect_dma source(%dma_start3A_10 : memref<1000x128xf32, #tpu.memory_space<vmem_shared>>) target(%arg7 : memref<400x128xf32, #tpu.memory_space<vmem>>) offsets(%arg5 : memref<400xi32, #tpu.memory_space<vmem>>) semaphore(%arg12 : memref<!tpu.dma_semaphore, #tpu.memory_space<semaphore_mem>>)
    %add3A_11 = arith.constant 200 : i32
    %add3A_12 = arith.addi %mul3A_2, %add3A_11 : i32
    %mul3A_13 = arith.constant 2 : i32
    %mul3A_14 = arith.muli %mul3A_13, %add3A_12 : i32
    %dma_start3A_15 = tpu.memref_slice %arg2[%mul3A_14] : memref<1638400xi32, #tpu.memory_space<hbm>> -> memref<400xi32, #tpu.memory_space<hbm>>
    %dma_start3A_16 = tpu.memref_slice %arg2[%mul3A_14] : memref<1638400xi32, #tpu.memory_space<hbm>> -> memref<400xi32, #tpu.memory_space<hbm>>
    tpu.enqueue_dma source(%dma_start3A_16 : memref<400xi32, #tpu.memory_space<hbm>>) target(%arg6 : memref<400xi32, #tpu.memory_space<vmem>>) target_semaphore(%arg11 : memref<!tpu.dma_semaphore, #tpu.memory_space<semaphore_mem>>)
    %scan3A = arith.constant 0 : i32
    %scan3A_17 = arith.constant 0 : i32
    %scan3A_18 = arith.constant 64 : i32
    %scan3A_19 = arith.addi %scan3A_17, %scan3A_18 : i32
    %scan3A_20 = arith.constant 1 : i32
    scf.for %scan3A_31 = %scan3A_17 to %scan3A_19 step %scan3A_20  : i32 {
      %mul3A_32 = arith.constant 2 : i32
      %mul3A_33 = arith.muli %mul3A_32, %scan3A_31 : i32
      %dma_wait3A_34 = arith.constant 0 : i32
      %dma_wait3A_35 = arith.constant 0 : i32
      %dma_wait3A_36 = tpu.memref_slice %arg9[%dma_wait3A_34, %dma_wait3A_35] : memref<1000x128xf32, #tpu.memory_space<vmem_shared>> -> memref<1000x128xf32, #tpu.memory_space<vmem_shared>>
      tpu.wait_indirect_dma semaphore(%arg12 : memref<!tpu.dma_semaphore, #tpu.memory_space<semaphore_mem>>) src(%dma_wait3A_36 : memref<1000x128xf32, #tpu.memory_space<vmem_shared>>) dst(%arg7 : memref<400x128xf32, #tpu.memory_space<vmem>>)
      %add3A_37 = arith.constant 2 : i32
      %add3A_38 = arith.addi %mul3A_33, %add3A_37 : i32
      %lt3A_39 = arith.constant 128 : i32
      %lt3A_40 = arith.cmpi slt, %add3A_38, %lt3A_39 : i32
      %convert_element_type3A_41 = arith.extui %lt3A_40 : i1 to i32
      %cond3A_42 = arith.constant 0 : i32
      %cond3A_43 = arith.cmpi ne, %convert_element_type3A_41, %cond3A_42 : i32
      scf.if %cond3A_43 {
        %add3A_110 = arith.constant 2 : i32
        %add3A_111 = arith.addi %mul3A_33, %add3A_110 : i32
        %mul3A_112 = arith.constant 200 : i32
        %mul3A_113 = arith.muli %add3A_111, %mul3A_112 : i32
        %add3A_114 = arith.addi %mul3A_2, %mul3A_113 : i32
        %mul3A_115 = arith.constant 2 : i32
        %mul3A_116 = arith.muli %mul3A_115, %add3A_114 : i32
        %dma_start3A_117 = tpu.memref_slice %arg2[%mul3A_116] : memref<1638400xi32, #tpu.memory_space<hbm>> -> memref<400xi32, #tpu.memory_space<hbm>>
        %dma_start3A_118 = tpu.memref_slice %arg2[%mul3A_116] : memref<1638400xi32, #tpu.memory_space<hbm>> -> memref<400xi32, #tpu.memory_space<hbm>>
        tpu.enqueue_dma source(%dma_start3A_118 : memref<400xi32, #tpu.memory_space<hbm>>) target(%arg5 : memref<400xi32, #tpu.memory_space<vmem>>) target_semaphore(%arg10 : memref<!tpu.dma_semaphore, #tpu.memory_space<semaphore_mem>>)
      } else {
      }
      %add3A_44 = arith.constant 1 : i32
      %add3A_45 = arith.addi %mul3A_33, %add3A_44 : i32
      %lt3A_46 = arith.constant 128 : i32
      %lt3A_47 = arith.cmpi slt, %add3A_45, %lt3A_46 : i32
      %convert_element_type3A_48 = arith.extui %lt3A_47 : i1 to i32
      %cond3A_49 = arith.constant 0 : i32
      %cond3A_50 = arith.cmpi ne, %convert_element_type3A_48, %cond3A_49 : i32
      scf.if %cond3A_50 {
        %dma_wait3A_110 = arith.constant 0 : i32
        %dma_wait3A_111 = tpu.memref_slice %arg2[%dma_wait3A_110] : memref<1638400xi32, #tpu.memory_space<hbm>> -> memref<400xi32, #tpu.memory_space<hbm>>
        %dma_wait3A_112 = arith.constant 0 : i32
        %dma_wait3A_113 = tpu.memref_slice %arg2[%dma_wait3A_112] : memref<1638400xi32, #tpu.memory_space<hbm>> -> memref<400xi32, #tpu.memory_space<hbm>>
        tpu.wait_dma2 semaphore(%arg11 : memref<!tpu.dma_semaphore, #tpu.memory_space<semaphore_mem>>) src(%dma_wait3A_113 : memref<400xi32, #tpu.memory_space<hbm>>) dst(%arg6 : memref<400xi32, #tpu.memory_space<vmem>>)
        %ge3A = arith.constant 1 : i32
        %ge3A_114 = arith.cmpi sge, %mul3A_33, %ge3A : i32
        %convert_element_type3A_115 = arith.extui %ge3A_114 : i1 to i32
        %cond3A_116 = arith.constant 0 : i32
        %cond3A_117 = arith.cmpi ne, %convert_element_type3A_115, %cond3A_116 : i32
        scf.if %cond3A_117 {
          %dma_wait3A_121 = arith.constant 0 : i32
          %dma_wait3A_122 = arith.constant 0 : i32
          %dma_wait3A_123 = tpu.memref_slice %arg8[%dma_wait3A_121, %dma_wait3A_122] : memref<400x128xf32, #tpu.memory_space<vmem>> -> memref<200x128xf32, #tpu.memory_space<vmem>>
          %dma_wait3A_124 = arith.constant 0 : i32
          %dma_wait3A_125 = tpu.memref_slice %arg4[%mul3A_2, %dma_wait3A_124] : memref<819200x128xf32, #tpu.memory_space<hbm>> -> memref<200x128xf32, #tpu.memory_space<hbm>>
          %dma_wait3A_126 = arith.constant 0 : i32
          %dma_wait3A_127 = tpu.memref_slice %arg4[%mul3A_2, %dma_wait3A_126] : memref<819200x128xf32, #tpu.memory_space<hbm>> -> memref<200x128xf32, #tpu.memory_space<hbm>>
          %dma_wait3A_128 = arith.constant 0 : i32
          %dma_wait3A_129 = arith.constant 0 : i32
          %dma_wait3A_130 = tpu.memref_slice %arg8[%dma_wait3A_128, %dma_wait3A_129] : memref<400x128xf32, #tpu.memory_space<vmem>> -> memref<200x128xf32, #tpu.memory_space<vmem>>
          tpu.wait_dma2 semaphore(%arg15 : memref<!tpu.dma_semaphore, #tpu.memory_space<semaphore_mem>>) src(%dma_wait3A_130 : memref<200x128xf32, #tpu.memory_space<vmem>>) dst(%dma_wait3A_127 : memref<200x128xf32, #tpu.memory_space<hbm>>)
        } else {
        }
        %dma_start3A_118 = arith.constant 0 : i32
        %dma_start3A_119 = arith.constant 0 : i32
        %dma_start3A_120 = tpu.memref_slice %arg9[%dma_start3A_118, %dma_start3A_119] : memref<1000x128xf32, #tpu.memory_space<vmem_shared>> -> memref<1000x128xf32, #tpu.memory_space<vmem_shared>>
        tpu.enqueue_indirect_dma source(%dma_start3A_120 : memref<1000x128xf32, #tpu.memory_space<vmem_shared>>) target(%arg8 : memref<400x128xf32, #tpu.memory_space<vmem>>) offsets(%arg6 : memref<400xi32, #tpu.memory_space<vmem>>) semaphore(%arg13 : memref<!tpu.dma_semaphore, #tpu.memory_space<semaphore_mem>>)
      } else {
      }
      %scan3A_51 = arith.constant 0 : i32
      %scan3A_52 = arith.constant 0 : i32
      %scan3A_53 = arith.constant 200 : i32
      %scan3A_54 = arith.addi %scan3A_52, %scan3A_53 : i32
      %scan3A_55 = arith.constant 1 : i32
      scf.for %scan3A_110 = %scan3A_52 to %scan3A_54 step %scan3A_55  : i32 {
        %add3A_111 = arith.constant 200 : i32
        %add3A_112 = arith.addi %add3A_111, %scan3A_110 : i32
        %get3A = arith.index_cast %add3A_112 : i32 to index
        %get3A_113 = arith.constant 0 : index
        %get3A_114 = tpu.vector_load %arg7[%get3A, %get3A_113] {strides = array<i32>} : memref<400x128xf32, #tpu.memory_space<vmem>>, vector<1x16xf32>,
        %get3A_115 = vector.shape_cast %get3A_114 : vector<1x16xf32> to vector<16xf32>
        %swap3A = arith.index_cast %scan3A_110 : i32 to index
        %swap3A_116 = arith.constant 0 : index
        %swap3A_117 = tpu.vector_load %arg7[%swap3A, %swap3A_116] {strides = array<i32>} : memref<400x128xf32, #tpu.memory_space<vmem>>, vector<1x16xf32>,
        %swap3A_118 = vector.shape_cast %swap3A_117 : vector<1x16xf32> to vector<16xf32>
        %swap3A_119 = vector.shape_cast %get3A_115 : vector<16xf32> to vector<1x16xf32>
        tpu.vector_store %arg7[%swap3A, %swap3A_116], %swap3A_119 {add = true, strides = array<i32>} : memref<400x128xf32, #tpu.memory_space<vmem>>, vector<1x16xf32>,
        %add3A_120 = arith.constant 200 : i32
        %add3A_121 = arith.addi %add3A_120, %scan3A_110 : i32
        %get3A_122 = arith.index_cast %add3A_121 : i32 to index
        %get3A_123 = arith.constant 16 : index
        %get3A_124 = tpu.vector_load %arg7[%get3A_122, %get3A_123] {strides = array<i32>} : memref<400x128xf32, #tpu.memory_space<vmem>>, vector<1x16xf32>,
        %get3A_125 = vector.shape_cast %get3A_124 : vector<1x16xf32> to vector<16xf32>
        %swap3A_126 = arith.index_cast %scan3A_110 : i32 to index
        %swap3A_127 = arith.constant 16 : index
        %swap3A_128 = tpu.vector_load %arg7[%swap3A_126, %swap3A_127] {strides = array<i32>} : memref<400x128xf32, #tpu.memory_space<vmem>>, vector<1x16xf32>,
        %swap3A_129 = vector.shape_cast %swap3A_128 : vector<1x16xf32> to vector<16xf32>
        %swap3A_130 = vector.shape_cast %get3A_125 : vector<16xf32> to vector<1x16xf32>
        tpu.vector_store %arg7[%swap3A_126, %swap3A_127], %swap3A_130 {add = true, strides = array<i32>} : memref<400x128xf32, #tpu.memory_space<vmem>>, vector<1x16xf32>,
        %add3A_131 = arith.constant 200 : i32
        %add3A_132 = arith.addi %add3A_131, %scan3A_110 : i32
        %get3A_133 = arith.index_cast %add3A_132 : i32 to index
        %get3A_134 = arith.constant 32 : index
        %get3A_135 = tpu.vector_load %arg7[%get3A_133, %get3A_134] {strides = array<i32>} : memref<400x128xf32, #tpu.memory_space<vmem>>, vector<1x16xf32>,
        %get3A_136 = vector.shape_cast %get3A_135 : vector<1x16xf32> to vector<16xf32>
        %swap3A_137 = arith.index_cast %scan3A_110 : i32 to index
        %swap3A_138 = arith.constant 32 : index
        %swap3A_139 = tpu.vector_load %arg7[%swap3A_137, %swap3A_138] {strides = array<i32>} : memref<400x128xf32, #tpu.memory_space<vmem>>, vector<1x16xf32>,
        %swap3A_140 = vector.shape_cast %swap3A_139 : vector<1x16xf32> to vector<16xf32>
        %swap3A_141 = vector.shape_cast %get3A_136 : vector<16xf32> to vector<1x16xf32>
        tpu.vector_store %arg7[%swap3A_137, %swap3A_138], %swap3A_141 {add = true, strides = array<i32>} : memref<400x128xf32, #tpu.memory_space<vmem>>, vector<1x16xf32>,
        %add3A_142 = arith.constant 200 : i32
        %add3A_143 = arith.addi %add3A_142, %scan3A_110 : i32
        %get3A_144 = arith.index_cast %add3A_143 : i32 to index
        %get3A_145 = arith.constant 48 : index
        %get3A_146 = tpu.vector_load %arg7[%get3A_144, %get3A_145] {strides = array<i32>} : memref<400x128xf32, #tpu.memory_space<vmem>>, vector<1x16xf32>,
        %get3A_147 = vector.shape_cast %get3A_146 : vector<1x16xf32> to vector<16xf32>
        %swap3A_148 = arith.index_cast %scan3A_110 : i32 to index
        %swap3A_149 = arith.constant 48 : index
        %swap3A_150 = tpu.vector_load %arg7[%swap3A_148, %swap3A_149] {strides = array<i32>} : memref<400x128xf32, #tpu.memory_space<vmem>>, vector<1x16xf32>,
        %swap3A_151 = vector.shape_cast %swap3A_150 : vector<1x16xf32> to vector<16xf32>
        %swap3A_152 = vector.shape_cast %get3A_147 : vector<16xf32> to vector<1x16xf32>
        tpu.vector_store %arg7[%swap3A_148, %swap3A_149], %swap3A_152 {add = true, strides = array<i32>} : memref<400x128xf32, #tpu.memory_space<vmem>>, vector<1x16xf32>,
        %add3A_153 = arith.constant 200 : i32
        %add3A_154 = arith.addi %add3A_153, %scan3A_110 : i32
        %get3A_155 = arith.index_cast %add3A_154 : i32 to index
        %get3A_156 = arith.constant 64 : index
        %get3A_157 = tpu.vector_load %arg7[%get3A_155, %get3A_156] {strides = array<i32>} : memref<400x128xf32, #tpu.memory_space<vmem>>, vector<1x16xf32>,
        %get3A_158 = vector.shape_cast %get3A_157 : vector<1x16xf32> to vector<16xf32>
        %swap3A_159 = arith.index_cast %scan3A_110 : i32 to index
        %swap3A_160 = arith.constant 64 : index
        %swap3A_161 = tpu.vector_load %arg7[%swap3A_159, %swap3A_160] {strides = array<i32>} : memref<400x128xf32, #tpu.memory_space<vmem>>, vector<1x16xf32>,
        %swap3A_162 = vector.shape_cast %swap3A_161 : vector<1x16xf32> to vector<16xf32>
        %swap3A_163 = vector.shape_cast %get3A_158 : vector<16xf32> to vector<1x16xf32>
        tpu.vector_store %arg7[%swap3A_159, %swap3A_160], %swap3A_163 {add = true, strides = array<i32>} : memref<400x128xf32, #tpu.memory_space<vmem>>, vector<1x16xf32>,
        %add3A_164 = arith.constant 200 : i32
        %add3A_165 = arith.addi %add3A_164, %scan3A_110 : i32
        %get3A_166 = arith.index_cast %add3A_165 : i32 to index
        %get3A_167 = arith.constant 80 : index
        %get3A_168 = tpu.vector_load %arg7[%get3A_166, %get3A_167] {strides = array<i32>} : memref<400x128xf32, #tpu.memory_space<vmem>>, vector<1x16xf32>,
        %get3A_169 = vector.shape_cast %get3A_168 : vector<1x16xf32> to vector<16xf32>
        %swap3A_170 = arith.index_cast %scan3A_110 : i32 to index
        %swap3A_171 = arith.constant 80 : index
        %swap3A_172 = tpu.vector_load %arg7[%swap3A_170, %swap3A_171] {strides = array<i32>} : memref<400x128xf32, #tpu.memory_space<vmem>>, vector<1x16xf32>,
        %swap3A_173 = vector.shape_cast %swap3A_172 : vector<1x16xf32> to vector<16xf32>
        %swap3A_174 = vector.shape_cast %get3A_169 : vector<16xf32> to vector<1x16xf32>
        tpu.vector_store %arg7[%swap3A_170, %swap3A_171], %swap3A_174 {add = true, strides = array<i32>} : memref<400x128xf32, #tpu.memory_space<vmem>>, vector<1x16xf32>,
        %add3A_175 = arith.constant 200 : i32
        %add3A_176 = arith.addi %add3A_175, %scan3A_110 : i32
        %get3A_177 = arith.index_cast %add3A_176 : i32 to index
        %get3A_178 = arith.constant 96 : index
        %get3A_179 = tpu.vector_load %arg7[%get3A_177, %get3A_178] {strides = array<i32>} : memref<400x128xf32, #tpu.memory_space<vmem>>, vector<1x16xf32>,
        %get3A_180 = vector.shape_cast %get3A_179 : vector<1x16xf32> to vector<16xf32>
        %swap3A_181 = arith.index_cast %scan3A_110 : i32 to index
        %swap3A_182 = arith.constant 96 : index
        %swap3A_183 = tpu.vector_load %arg7[%swap3A_181, %swap3A_182] {strides = array<i32>} : memref<400x128xf32, #tpu.memory_space<vmem>>, vector<1x16xf32>,
        %swap3A_184 = vector.shape_cast %swap3A_183 : vector<1x16xf32> to vector<16xf32>
        %swap3A_185 = vector.shape_cast %get3A_180 : vector<16xf32> to vector<1x16xf32>
        tpu.vector_store %arg7[%swap3A_181, %swap3A_182], %swap3A_185 {add = true, strides = array<i32>} : memref<400x128xf32, #tpu.memory_space<vmem>>, vector<1x16xf32>,
        %add3A_186 = arith.constant 200 : i32
        %add3A_187 = arith.addi %add3A_186, %scan3A_110 : i32
        %get3A_188 = arith.index_cast %add3A_187 : i32 to index
        %get3A_189 = arith.constant 112 : index
        %get3A_190 = tpu.vector_load %arg7[%get3A_188, %get3A_189] {strides = array<i32>} : memref<400x128xf32, #tpu.memory_space<vmem>>, vector<1x16xf32>,
        %get3A_191 = vector.shape_cast %get3A_190 : vector<1x16xf32> to vector<16xf32>
        %swap3A_192 = arith.index_cast %scan3A_110 : i32 to index
        %swap3A_193 = arith.constant 112 : index
        %swap3A_194 = tpu.vector_load %arg7[%swap3A_192, %swap3A_193] {strides = array<i32>} : memref<400x128xf32, #tpu.memory_space<vmem>>, vector<1x16xf32>,
        %swap3A_195 = vector.shape_cast %swap3A_194 : vector<1x16xf32> to vector<16xf32>
        %swap3A_196 = vector.shape_cast %get3A_191 : vector<16xf32> to vector<1x16xf32>
        tpu.vector_store %arg7[%swap3A_192, %swap3A_193], %swap3A_196 {add = true, strides = array<i32>} : memref<400x128xf32, #tpu.memory_space<vmem>>, vector<1x16xf32>,
      }
      %scan3A_56 = arith.constant 200 : i32
      %mul3A_57 = arith.constant 200 : i32
      %mul3A_58 = arith.muli %mul3A_33, %mul3A_57 : i32
      %add3A_59 = arith.addi %mul3A_2, %mul3A_58 : i32
      %dma_start3A_60 = arith.constant 0 : i32
      %dma_start3A_61 = arith.constant 0 : i32
      %dma_start3A_62 = tpu.memref_slice %arg7[%dma_start3A_60, %dma_start3A_61] : memref<400x128xf32, #tpu.memory_space<vmem>> -> memref<200x128xf32, #tpu.memory_space<vmem>>
      %dma_start3A_63 = arith.constant 0 : i32
      %dma_start3A_64 = tpu.memref_slice %arg4[%add3A_59, %dma_start3A_63] : memref<819200x128xf32, #tpu.memory_space<hbm>> -> memref<200x128xf32, #tpu.memory_space<hbm>>
      %dma_start3A_65 = arith.constant 0 : i32
      %dma_start3A_66 = tpu.memref_slice %arg4[%add3A_59, %dma_start3A_65] : memref<819200x128xf32, #tpu.memory_space<hbm>> -> memref<200x128xf32, #tpu.memory_space<hbm>>
      %dma_start3A_67 = arith.constant 0 : i32
      %dma_start3A_68 = arith.constant 0 : i32
      %dma_start3A_69 = tpu.memref_slice %arg7[%dma_start3A_67, %dma_start3A_68] : memref<400x128xf32, #tpu.memory_space<vmem>> -> memref<200x128xf32, #tpu.memory_space<vmem>>
      tpu.enqueue_dma source(%dma_start3A_69 : memref<200x128xf32, #tpu.memory_space<vmem>>) target(%dma_start3A_66 : memref<200x128xf32, #tpu.memory_space<hbm>>) target_semaphore(%arg14 : memref<!tpu.dma_semaphore, #tpu.memory_space<semaphore_mem>>)
      %mul3A_70 = arith.constant 2 : i32
      %mul3A_71 = arith.muli %mul3A_70, %scan3A_31 : i32
      %add3A_72 = arith.constant 1 : i32
      %add3A_73 = arith.addi %mul3A_71, %add3A_72 : i32
      %dma_wait3A_74 = arith.constant 0 : i32
      %dma_wait3A_75 = arith.constant 0 : i32
      %dma_wait3A_76 = tpu.memref_slice %arg9[%dma_wait3A_74, %dma_wait3A_75] : memref<1000x128xf32, #tpu.memory_space<vmem_shared>> -> memref<1000x128xf32, #tpu.memory_space<vmem_shared>>
      tpu.wait_indirect_dma semaphore(%arg13 : memref<!tpu.dma_semaphore, #tpu.memory_space<semaphore_mem>>) src(%dma_wait3A_76 : memref<1000x128xf32, #tpu.memory_space<vmem_shared>>) dst(%arg8 : memref<400x128xf32, #tpu.memory_space<vmem>>)
      %add3A_77 = arith.constant 2 : i32
      %add3A_78 = arith.addi %add3A_73, %add3A_77 : i32
      %lt3A_79 = arith.constant 128 : i32
      %lt3A_80 = arith.cmpi slt, %add3A_78, %lt3A_79 : i32
      %convert_element_type3A_81 = arith.extui %lt3A_80 : i1 to i32
      %cond3A_82 = arith.constant 0 : i32
      %cond3A_83 = arith.cmpi ne, %convert_element_type3A_81, %cond3A_82 : i32
      scf.if %cond3A_83 {
        %add3A_110 = arith.constant 2 : i32
        %add3A_111 = arith.addi %add3A_73, %add3A_110 : i32
        %mul3A_112 = arith.constant 200 : i32
        %mul3A_113 = arith.muli %add3A_111, %mul3A_112 : i32
        %add3A_114 = arith.addi %mul3A_2, %mul3A_113 : i32
        %mul3A_115 = arith.constant 2 : i32
        %mul3A_116 = arith.muli %mul3A_115, %add3A_114 : i32
        %dma_start3A_117 = tpu.memref_slice %arg2[%mul3A_116] : memref<1638400xi32, #tpu.memory_space<hbm>> -> memref<400xi32, #tpu.memory_space<hbm>>
        %dma_start3A_118 = tpu.memref_slice %arg2[%mul3A_116] : memref<1638400xi32, #tpu.memory_space<hbm>> -> memref<400xi32, #tpu.memory_space<hbm>>
        tpu.enqueue_dma source(%dma_start3A_118 : memref<400xi32, #tpu.memory_space<hbm>>) target(%arg6 : memref<400xi32, #tpu.memory_space<vmem>>) target_semaphore(%arg11 : memref<!tpu.dma_semaphore, #tpu.memory_space<semaphore_mem>>)
      } else {
      }
      %add3A_84 = arith.constant 1 : i32
      %add3A_85 = arith.addi %add3A_73, %add3A_84 : i32
      %lt3A_86 = arith.constant 128 : i32
      %lt3A_87 = arith.cmpi slt, %add3A_85, %lt3A_86 : i32
      %convert_element_type3A_88 = arith.extui %lt3A_87 : i1 to i32
      %cond3A_89 = arith.constant 0 : i32
      %cond3A_90 = arith.cmpi ne, %convert_element_type3A_88, %cond3A_89 : i32
      scf.if %cond3A_90 {
        %dma_wait3A_110 = arith.constant 0 : i32
        %dma_wait3A_111 = tpu.memref_slice %arg2[%dma_wait3A_110] : memref<1638400xi32, #tpu.memory_space<hbm>> -> memref<400xi32, #tpu.memory_space<hbm>>
        %dma_wait3A_112 = arith.constant 0 : i32
        %dma_wait3A_113 = tpu.memref_slice %arg2[%dma_wait3A_112] : memref<1638400xi32, #tpu.memory_space<hbm>> -> memref<400xi32, #tpu.memory_space<hbm>>
        tpu.wait_dma2 semaphore(%arg10 : memref<!tpu.dma_semaphore, #tpu.memory_space<semaphore_mem>>) src(%dma_wait3A_113 : memref<400xi32, #tpu.memory_space<hbm>>) dst(%arg5 : memref<400xi32, #tpu.memory_space<vmem>>)
        %ge3A = arith.constant 1 : i32
        %ge3A_114 = arith.cmpi sge, %add3A_73, %ge3A : i32
        %convert_element_type3A_115 = arith.extui %ge3A_114 : i1 to i32
        %cond3A_116 = arith.constant 0 : i32
        %cond3A_117 = arith.cmpi ne, %convert_element_type3A_115, %cond3A_116 : i32
        scf.if %cond3A_117 {
          %dma_wait3A_121 = arith.constant 0 : i32
          %dma_wait3A_122 = arith.constant 0 : i32
          %dma_wait3A_123 = tpu.memref_slice %arg7[%dma_wait3A_121, %dma_wait3A_122] : memref<400x128xf32, #tpu.memory_space<vmem>> -> memref<200x128xf32, #tpu.memory_space<vmem>>
          %dma_wait3A_124 = arith.constant 0 : i32
          %dma_wait3A_125 = tpu.memref_slice %arg4[%mul3A_2, %dma_wait3A_124] : memref<819200x128xf32, #tpu.memory_space<hbm>> -> memref<200x128xf32, #tpu.memory_space<hbm>>
          %dma_wait3A_126 = arith.constant 0 : i32
          %dma_wait3A_127 = tpu.memref_slice %arg4[%mul3A_2, %dma_wait3A_126] : memref<819200x128xf32, #tpu.memory_space<hbm>> -> memref<200x128xf32, #tpu.memory_space<hbm>>
          %dma_wait3A_128 = arith.constant 0 : i32
          %dma_wait3A_129 = arith.constant 0 : i32
          %dma_wait3A_130 = tpu.memref_slice %arg7[%dma_wait3A_128, %dma_wait3A_129] : memref<400x128xf32, #tpu.memory_space<vmem>> -> memref<200x128xf32, #tpu.memory_space<vmem>>
          tpu.wait_dma2 semaphore(%arg14 : memref<!tpu.dma_semaphore, #tpu.memory_space<semaphore_mem>>) src(%dma_wait3A_130 : memref<200x128xf32, #tpu.memory_space<vmem>>) dst(%dma_wait3A_127 : memref<200x128xf32, #tpu.memory_space<hbm>>)
        } else {
        }
        %dma_start3A_118 = arith.constant 0 : i32
        %dma_start3A_119 = arith.constant 0 : i32
        %dma_start3A_120 = tpu.memref_slice %arg9[%dma_start3A_118, %dma_start3A_119] : memref<1000x128xf32, #tpu.memory_space<vmem_shared>> -> memref<1000x128xf32, #tpu.memory_space<vmem_shared>>
        tpu.enqueue_indirect_dma source(%dma_start3A_120 : memref<1000x128xf32, #tpu.memory_space<vmem_shared>>) target(%arg7 : memref<400x128xf32, #tpu.memory_space<vmem>>) offsets(%arg5 : memref<400xi32, #tpu.memory_space<vmem>>) semaphore(%arg12 : memref<!tpu.dma_semaphore, #tpu.memory_space<semaphore_mem>>)
      } else {
      }
      %scan3A_91 = arith.constant 0 : i32
      %scan3A_92 = arith.constant 0 : i32
      %scan3A_93 = arith.constant 200 : i32
      %scan3A_94 = arith.addi %scan3A_92, %scan3A_93 : i32
      %scan3A_95 = arith.constant 1 : i32
      scf.for %scan3A_110 = %scan3A_92 to %scan3A_94 step %scan3A_95  : i32 {
        %add3A_111 = arith.constant 200 : i32
        %add3A_112 = arith.addi %add3A_111, %scan3A_110 : i32
        %get3A = arith.index_cast %add3A_112 : i32 to index
        %get3A_113 = arith.constant 0 : index
        %get3A_114 = tpu.vector_load %arg8[%get3A, %get3A_113] {strides = array<i32>} : memref<400x128xf32, #tpu.memory_space<vmem>>, vector<1x16xf32>,
        %get3A_115 = vector.shape_cast %get3A_114 : vector<1x16xf32> to vector<16xf32>
        %swap3A = arith.index_cast %scan3A_110 : i32 to index
        %swap3A_116 = arith.constant 0 : index
        %swap3A_117 = tpu.vector_load %arg8[%swap3A, %swap3A_116] {strides = array<i32>} : memref<400x128xf32, #tpu.memory_space<vmem>>, vector<1x16xf32>,
        %swap3A_118 = vector.shape_cast %swap3A_117 : vector<1x16xf32> to vector<16xf32>
        %swap3A_119 = vector.shape_cast %get3A_115 : vector<16xf32> to vector<1x16xf32>
        tpu.vector_store %arg8[%swap3A, %swap3A_116], %swap3A_119 {add = true, strides = array<i32>} : memref<400x128xf32, #tpu.memory_space<vmem>>, vector<1x16xf32>,
        %add3A_120 = arith.constant 200 : i32
        %add3A_121 = arith.addi %add3A_120, %scan3A_110 : i32
        %get3A_122 = arith.index_cast %add3A_121 : i32 to index
        %get3A_123 = arith.constant 16 : index
        %get3A_124 = tpu.vector_load %arg8[%get3A_122, %get3A_123] {strides = array<i32>} : memref<400x128xf32, #tpu.memory_space<vmem>>, vector<1x16xf32>,
        %get3A_125 = vector.shape_cast %get3A_124 : vector<1x16xf32> to vector<16xf32>
        %swap3A_126 = arith.index_cast %scan3A_110 : i32 to index
        %swap3A_127 = arith.constant 16 : index
        %swap3A_128 = tpu.vector_load %arg8[%swap3A_126, %swap3A_127] {strides = array<i32>} : memref<400x128xf32, #tpu.memory_space<vmem>>, vector<1x16xf32>,
        %swap3A_129 = vector.shape_cast %swap3A_128 : vector<1x16xf32> to vector<16xf32>
        %swap3A_130 = vector.shape_cast %get3A_125 : vector<16xf32> to vector<1x16xf32>
        tpu.vector_store %arg8[%swap3A_126, %swap3A_127], %swap3A_130 {add = true, strides = array<i32>} : memref<400x128xf32, #tpu.memory_space<vmem>>, vector<1x16xf32>,
        %add3A_131 = arith.constant 200 : i32
        %add3A_132 = arith.addi %add3A_131, %scan3A_110 : i32
        %get3A_133 = arith.index_cast %add3A_132 : i32 to index
        %get3A_134 = arith.constant 32 : index
        %get3A_135 = tpu.vector_load %arg8[%get3A_133, %get3A_134] {strides = array<i32>} : memref<400x128xf32, #tpu.memory_space<vmem>>, vector<1x16xf32>,
        %get3A_136 = vector.shape_cast %get3A_135 : vector<1x16xf32> to vector<16xf32>
        %swap3A_137 = arith.index_cast %scan3A_110 : i32 to index
        %swap3A_138 = arith.constant 32 : index
        %swap3A_139 = tpu.vector_load %arg8[%swap3A_137, %swap3A_138] {strides = array<i32>} : memref<400x128xf32, #tpu.memory_space<vmem>>, vector<1x16xf32>,
        %swap3A_140 = vector.shape_cast %swap3A_139 : vector<1x16xf32> to vector<16xf32>
        %swap3A_141 = vector.shape_cast %get3A_136 : vector<16xf32> to vector<1x16xf32>
        tpu.vector_store %arg8[%swap3A_137, %swap3A_138], %swap3A_141 {add = true, strides = array<i32>} : memref<400x128xf32, #tpu.memory_space<vmem>>, vector<1x16xf32>,
        %add3A_142 = arith.constant 200 : i32
        %add3A_143 = arith.addi %add3A_142, %scan3A_110 : i32
        %get3A_144 = arith.index_cast %add3A_143 : i32 to index
        %get3A_145 = arith.constant 48 : index
        %get3A_146 = tpu.vector_load %arg8[%get3A_144, %get3A_145] {strides = array<i32>} : memref<400x128xf32, #tpu.memory_space<vmem>>, vector<1x16xf32>,
        %get3A_147 = vector.shape_cast %get3A_146 : vector<1x16xf32> to vector<16xf32>
        %swap3A_148 = arith.index_cast %scan3A_110 : i32 to index
        %swap3A_149 = arith.constant 48 : index
        %swap3A_150 = tpu.vector_load %arg8[%swap3A_148, %swap3A_149] {strides = array<i32>} : memref<400x128xf32, #tpu.memory_space<vmem>>, vector<1x16xf32>,
        %swap3A_151 = vector.shape_cast %swap3A_150 : vector<1x16xf32> to vector<16xf32>
        %swap3A_152 = vector.shape_cast %get3A_147 : vector<16xf32> to vector<1x16xf32>
        tpu.vector_store %arg8[%swap3A_148, %swap3A_149], %swap3A_152 {add = true, strides = array<i32>} : memref<400x128xf32, #tpu.memory_space<vmem>>, vector<1x16xf32>,
        %add3A_153 = arith.constant 200 : i32
        %add3A_154 = arith.addi %add3A_153, %scan3A_110 : i32
        %get3A_155 = arith.index_cast %add3A_154 : i32 to index
        %get3A_156 = arith.constant 64 : index
        %get3A_157 = tpu.vector_load %arg8[%get3A_155, %get3A_156] {strides = array<i32>} : memref<400x128xf32, #tpu.memory_space<vmem>>, vector<1x16xf32>,
        %get3A_158 = vector.shape_cast %get3A_157 : vector<1x16xf32> to vector<16xf32>
        %swap3A_159 = arith.index_cast %scan3A_110 : i32 to index
        %swap3A_160 = arith.constant 64 : index
        %swap3A_161 = tpu.vector_load %arg8[%swap3A_159, %swap3A_160] {strides = array<i32>} : memref<400x128xf32, #tpu.memory_space<vmem>>, vector<1x16xf32>,
        %swap3A_162 = vector.shape_cast %swap3A_161 : vector<1x16xf32> to vector<16xf32>
        %swap3A_163 = vector.shape_cast %get3A_158 : vector<16xf32> to vector<1x16xf32>
        tpu.vector_store %arg8[%swap3A_159, %swap3A_160], %swap3A_163 {add = true, strides = array<i32>} : memref<400x128xf32, #tpu.memory_space<vmem>>, vector<1x16xf32>,
        %add3A_164 = arith.constant 200 : i32
        %add3A_165 = arith.addi %add3A_164, %scan3A_110 : i32
        %get3A_166 = arith.index_cast %add3A_165 : i32 to index
        %get3A_167 = arith.constant 80 : index
        %get3A_168 = tpu.vector_load %arg8[%get3A_166, %get3A_167] {strides = array<i32>} : memref<400x128xf32, #tpu.memory_space<vmem>>, vector<1x16xf32>,
        %get3A_169 = vector.shape_cast %get3A_168 : vector<1x16xf32> to vector<16xf32>
        %swap3A_170 = arith.index_cast %scan3A_110 : i32 to index
        %swap3A_171 = arith.constant 80 : index
        %swap3A_172 = tpu.vector_load %arg8[%swap3A_170, %swap3A_171] {strides = array<i32>} : memref<400x128xf32, #tpu.memory_space<vmem>>, vector<1x16xf32>,
        %swap3A_173 = vector.shape_cast %swap3A_172 : vector<1x16xf32> to vector<16xf32>
        %swap3A_174 = vector.shape_cast %get3A_169 : vector<16xf32> to vector<1x16xf32>
        tpu.vector_store %arg8[%swap3A_170, %swap3A_171], %swap3A_174 {add = true, strides = array<i32>} : memref<400x128xf32, #tpu.memory_space<vmem>>, vector<1x16xf32>,
        %add3A_175 = arith.constant 200 : i32
        %add3A_176 = arith.addi %add3A_175, %scan3A_110 : i32
        %get3A_177 = arith.index_cast %add3A_176 : i32 to index
        %get3A_178 = arith.constant 96 : index
        %get3A_179 = tpu.vector_load %arg8[%get3A_177, %get3A_178] {strides = array<i32>} : memref<400x128xf32, #tpu.memory_space<vmem>>, vector<1x16xf32>,
        %get3A_180 = vector.shape_cast %get3A_179 : vector<1x16xf32> to vector<16xf32>
        %swap3A_181 = arith.index_cast %scan3A_110 : i32 to index
        %swap3A_182 = arith.constant 96 : index
        %swap3A_183 = tpu.vector_load %arg8[%swap3A_181, %swap3A_182] {strides = array<i32>} : memref<400x128xf32, #tpu.memory_space<vmem>>, vector<1x16xf32>,
        %swap3A_184 = vector.shape_cast %swap3A_183 : vector<1x16xf32> to vector<16xf32>
        %swap3A_185 = vector.shape_cast %get3A_180 : vector<16xf32> to vector<1x16xf32>
        tpu.vector_store %arg8[%swap3A_181, %swap3A_182], %swap3A_185 {add = true, strides = array<i32>} : memref<400x128xf32, #tpu.memory_space<vmem>>, vector<1x16xf32>,
        %add3A_186 = arith.constant 200 : i32
        %add3A_187 = arith.addi %add3A_186, %scan3A_110 : i32
        %get3A_188 = arith.index_cast %add3A_187 : i32 to index
        %get3A_189 = arith.constant 112 : index
        %get3A_190 = tpu.vector_load %arg8[%get3A_188, %get3A_189] {strides = array<i32>} : memref<400x128xf32, #tpu.memory_space<vmem>>, vector<1x16xf32>,
        %get3A_191 = vector.shape_cast %get3A_190 : vector<1x16xf32> to vector<16xf32>
        %swap3A_192 = arith.index_cast %scan3A_110 : i32 to index
        %swap3A_193 = arith.constant 112 : index
        %swap3A_194 = tpu.vector_load %arg8[%swap3A_192, %swap3A_193] {strides = array<i32>} : memref<400x128xf32, #tpu.memory_space<vmem>>, vector<1x16xf32>,
        %swap3A_195 = vector.shape_cast %swap3A_194 : vector<1x16xf32> to vector<16xf32>
        %swap3A_196 = vector.shape_cast %get3A_191 : vector<16xf32> to vector<1x16xf32>
        tpu.vector_store %arg8[%swap3A_192, %swap3A_193], %swap3A_196 {add = true, strides = array<i32>} : memref<400x128xf32, #tpu.memory_space<vmem>>, vector<1x16xf32>,
      }
      %scan3A_96 = arith.constant 200 : i32
      %mul3A_97 = arith.constant 200 : i32
      %mul3A_98 = arith.muli %add3A_73, %mul3A_97 : i32
      %add3A_99 = arith.addi %mul3A_2, %mul3A_98 : i32
      %dma_start3A_100 = arith.constant 0 : i32
      %dma_start3A_101 = arith.constant 0 : i32
      %dma_start3A_102 = tpu.memref_slice %arg8[%dma_start3A_100, %dma_start3A_101] : memref<400x128xf32, #tpu.memory_space<vmem>> -> memref<200x128xf32, #tpu.memory_space<vmem>>
      %dma_start3A_103 = arith.constant 0 : i32
      %dma_start3A_104 = tpu.memref_slice %arg4[%add3A_99, %dma_start3A_103] : memref<819200x128xf32, #tpu.memory_space<hbm>> -> memref<200x128xf32, #tpu.memory_space<hbm>>
      %dma_start3A_105 = arith.constant 0 : i32
      %dma_start3A_106 = tpu.memref_slice %arg4[%add3A_99, %dma_start3A_105] : memref<819200x128xf32, #tpu.memory_space<hbm>> -> memref<200x128xf32, #tpu.memory_space<hbm>>
      %dma_start3A_107 = arith.constant 0 : i32
      %dma_start3A_108 = arith.constant 0 : i32
      %dma_start3A_109 = tpu.memref_slice %arg8[%dma_start3A_107, %dma_start3A_108] : memref<400x128xf32, #tpu.memory_space<vmem>> -> memref<200x128xf32, #tpu.memory_space<vmem>>
      tpu.enqueue_dma source(%dma_start3A_109 : memref<200x128xf32, #tpu.memory_space<vmem>>) target(%dma_start3A_106 : memref<200x128xf32, #tpu.memory_space<hbm>>) target_semaphore(%arg15 : memref<!tpu.dma_semaphore, #tpu.memory_space<semaphore_mem>>)
    }
    %scan3A_21 = arith.constant 64 : i32
    %dma_wait3A = arith.constant 0 : i32
    %dma_wait3A_22 = arith.constant 0 : i32
    %dma_wait3A_23 = tpu.memref_slice %arg8[%dma_wait3A, %dma_wait3A_22] : memref<400x128xf32, #tpu.memory_space<vmem>> -> memref<200x128xf32, #tpu.memory_space<vmem>>
    %dma_wait3A_24 = arith.constant 0 : i32
    %dma_wait3A_25 = tpu.memref_slice %arg4[%mul3A_2, %dma_wait3A_24] : memref<819200x128xf32, #tpu.memory_space<hbm>> -> memref<200x128xf32, #tpu.memory_space<hbm>>
    %dma_wait3A_26 = arith.constant 0 : i32
    %dma_wait3A_27 = tpu.memref_slice %arg4[%mul3A_2, %dma_wait3A_26] : memref<819200x128xf32, #tpu.memory_space<hbm>> -> memref<200x128xf32, #tpu.memory_space<hbm>>
    %dma_wait3A_28 = arith.constant 0 : i32
    %dma_wait3A_29 = arith.constant 0 : i32
    %dma_wait3A_30 = tpu.memref_slice %arg8[%dma_wait3A_28, %dma_wait3A_29] : memref<400x128xf32, #tpu.memory_space<vmem>> -> memref<200x128xf32, #tpu.memory_space<vmem>>
    tpu.wait_dma2 semaphore(%arg15 : memref<!tpu.dma_semaphore, #tpu.memory_space<semaphore_mem>>) src(%dma_wait3A_30 : memref<200x128xf32, #tpu.memory_space<vmem>>) dst(%dma_wait3A_27 : memref<200x128xf32, #tpu.memory_space<hbm>>)
    return
  }
}

</mosaic_0001>

<sc_bundles>
// kernel: kernel.3.cloned.1.call-start
scs
__scs_entry_jumppad:
0x0: {  	(pc) =	sbr.rel $0x88, $3  }
0x1: {  	(tag) =	ssettag $0x0;
	lr =	simm.s32 $0x1  }
0x2: {  	[smem:$0x3F9F] =	sst lr;
	_ =	strace $0xD0000000  }
0x3: {  	_ = 	snop  }
0x4: {  	_ = 	snop  }
0x5: {  	_ = 	snop  }
0x6: {  	_ = 	snop  }
0x7: {  	_ = 	snop  }
__scs_overlays_trampoline_lowered:
0x8: {  	[smem:$0x3FAE] =	sst s0  }
0x9: {  	[smem:$0x3FAF] =	sst s1  }
0xa: {  	[smem:$0x3FB0] =	sst s2  }
0xb: {  	[smem:$0x3FB1] =	sst s3  }
0xc: {  	[smem:$0x3FB2] =	sst s4  }
0xd: {  	[smem:$0x3FB3] =	sst s5  }
0xe: {  	[smem:$0x3FB4] =	sst s6  }
0xf: {  	[smem:$0x3FB5] =	sst s7  }
0x10: {  	[smem:$0x3FB6] =	sst s8  }
0x11: {  	[smem:$0x3FB7] =	sst s9;
	s0 =	simm.s32 @!p0 $0x0  }
0x12: {  	s1 =	sld [smem:$0x3F9D];
	s0 =	simm.s32 @p0 $0x1  }
0x13: {  	[smem:$0x3FB8] =	sst s0;
	s0 =	simm.s32 @!p1 $0x0  }
0x14: {  	s2 =	sld [smem:$0x3F9C];
	s0 =	simm.s32 @p1 $0x1  }
0x15: {  	[smem:$0x3FB9] =	sst s0;
	s0 =	simm.s32 @!p2 $0x0  }
0x16: {  	s3 =	sld [smem:$0x3FDB];
	s0 =	simm.s32 @p2 $0x1  }
0x17: {  	s4 =	simm.s32 $0x1BF5;
	[smem:$0x3FBB] =	sst s0  }
0x18: {  	s0 =	sld [smem:$0x3F9E];
	_ =	swait.ge [sflag:s4], $0x0  }
0x19: {  	s7 =	sld [smem:$0x3F9F]  }
0x1a: {  	s8 =	sadd.s32 $0xFFFFE003, lr  }
0x1b: {  	s9 =	sadd.s32 $0xFFFFFEF7, lr;
	s5 =	simm.s32 $0xFFFFFFFF;
	p2 =	slt.u32 s8, $0xFFFFF086  }
0x1c: {  	p1 =	slt.u32 s9, $0xF7A;
	s5 =	simm.s32 @!p2 $0x0  }
0x1d: {  	s5 =	simm.s32 @p1 $0x1;
	p0 =	seq.s32 s7, s2  }
0x1e: {  	s7 =	smul.u32 @!p0 $0xF7A, s2;
	p2 =	seq.s32 @!p0 s5, $0x0  }
0x1f: {  	s9 =	smul.u32 $0xF7A, s1;
	s8 =	simm.s32 @!p0 $0x1BF5;
	p2 =	por !p2, p0  }
0x20: {  	[sflag:s8] =	ssyncset.s32 @!p0 $0xFFFFF086;
	s6 =	sadd.s32 @!p0 s3, s7;
	s7 =	simm.s32 @!p0 $0x108  }
0x21: {  	s3 =	sadd.s32 s3, s9;
	s6 =	sadd.s32 @!p0 $0x88, s6;
	s7 =	simm.s32 @p2 $0x1082  }
0x22: {  	[simem:s7], [sflag:s8] =	dma.local @!p0 [hbm:s6], $0xF7A  }
0x23: {  	s9 =	sor.u32 $0xD0000000, s2;
	s6 =	simm.s32 $0x108;
	_ =	swait.ge @!p0 [sflag:s8], $0x0  }
0x24: {  	s3 =	sadd.s32 $0x88, s3;
	s6 =	simm.s32 @!p1 $0x1082;
	[sflag:s4] =	ssyncset.s32 $0xFFFFF086  }
0x25: {  	[simem:s6], [sflag:s4] =	dma.local [hbm:s3], $0xF7A  }
0x26: {  	[smem:$0x3F9F] =	sst s1;
	(tag) =	ssettag s2;
	_ =	strace s9  }
0x27: {  	s1 =	sld [smem:$0x3FAF]  }
0x28: {  	s2 =	sld [smem:$0x3FB0]  }
0x29: {  	s4 =	sld [smem:$0x3FB2]  }
0x2a: {  	p0 =	seq.s32 s5, $0x0;
	s5 =	sld [smem:$0x3FB3]  }
0x2b: {  	s6 =	sld [smem:$0x3FB4]  }
0x2c: {  	s7 =	sld [smem:$0x3FB5]  }
0x2d: {  	s3 =	simm.s32 $0x108;
	s8 =	sld [smem:$0x3FB6]  }
0x2e: {  	s3 =	simm.s32 @!p0 $0x1082;
	s9 =	sld [smem:$0x3FB7]  }
0x2f: {  	lr =	sadd.s32 s0, s3;
	s0 =	sld [smem:$0x3FAE]  }
0x30: {  	s3 =	sld [smem:$0x3FB1]  }
0x31: {  	[smem:$0x3FBA] =	sst s10  }
0x32: {  	s10 =	sld [smem:$0x3FB8];
	_ =	sdelay $0x3  }
0x33: {  	p0 =	seq.s32 s10, $0x1;
	s10 =	sld [smem:$0x3FBA];
	_ =	sdelay $0x3  }
0x34: {  	[smem:$0x3FBA] =	sst s10  }
0x35: {  	s10 =	sld [smem:$0x3FB9];
	_ =	sdelay $0x3  }
0x36: {  	p1 =	seq.s32 s10, $0x1;
	s10 =	sld [smem:$0x3FBA];
	_ =	sdelay $0x3  }
0x37: {  	[smem:$0x3FBA] =	sst s10  }
0x38: {  	s10 =	sld [smem:$0x3FBB]  }
0x39: {  	_ = 	snop;
	(pc) =	sbr.ind lr, $3  }
0x3a: {  	_ = 	snop  }
0x3b: {  	_ = 	snop  }
0x3c: {  	p2 =	seq.s32 s10, $0x1;
	s10 =	sld [smem:$0x3FBA]  }
0x3d: {  	_ =	shalt  }
0x3e: {  	_ =	shalt  }
0x3f: {  	_ =	shalt  }
0x40: {  	_ =	shalt  }
0x41: {  	_ =	shalt  }
0x42: {  	_ =	shalt  }
0x43: {  	_ =	shalt  }
0x44: {  	_ =	shalt  }
0x45: {  	_ =	shalt  }
0x46: {  	_ =	shalt  }
0x47: {  	_ =	shalt  }
0x48: {  	_ =	shalt  }
0x49: {  	_ =	shalt  }
0x4a: {  	_ =	shalt  }
0x4b: {  	_ =	shalt  }
0x4c: {  	_ =	shalt  }
0x4d: {  	_ =	shalt  }
0x4e: {  	_ =	shalt  }
0x4f: {  	_ =	shalt  }
0x50: {  	_ =	shalt  }
0x51: {  	_ =	shalt  }
0x52: {  	_ =	shalt  }
0x53: {  	_ =	shalt  }
0x54: {  	_ =	shalt  }
0x55: {  	_ =	shalt  }
0x56: {  	_ =	shalt  }
0x57: {  	_ =	shalt  }
0x58: {  	_ =	shalt  }
0x59: {  	_ =	shalt  }
0x5a: {  	_ =	shalt  }
0x5b: {  	_ =	shalt  }
0x5c: {  	_ =	shalt  }
0x5d: {  	_ =	shalt  }
0x5e: {  	_ =	shalt  }
0x5f: {  	_ =	shalt  }
0x60: {  	_ =	shalt  }
0x61: {  	_ =	shalt  }
0x62: {  	_ =	shalt  }
0x63: {  	_ =	shalt  }
0x64: {  	_ =	shalt  }
0x65: {  	_ =	shalt  }
0x66: {  	_ =	shalt  }
0x67: {  	_ =	shalt  }
0x68: {  	_ =	shalt  }
0x69: {  	_ =	shalt  }
0x6a: {  	_ =	shalt  }
0x6b: {  	_ =	shalt  }
0x6c: {  	_ =	shalt  }
0x6d: {  	_ =	shalt  }
0x6e: {  	_ =	shalt  }
0x6f: {  	_ =	shalt  }
0x70: {  	_ =	shalt  }
0x71: {  	_ =	shalt  }
0x72: {  	_ =	shalt  }
0x73: {  	_ =	shalt  }
0x74: {  	_ =	shalt  }
0x75: {  	_ =	shalt  }
0x76: {  	_ =	shalt  }
0x77: {  	_ =	shalt  }
0x78: {  	_ =	shalt  }
0x79: {  	_ =	shalt  }
0x7a: {  	_ =	shalt  }
0x7b: {  	_ =	shalt  }
0x7c: {  	_ =	shalt  }
0x7d: {  	_ =	shalt  }
0x7e: {  	_ =	shalt  }
0x7f: {  	_ =	shalt  }
0x80: {  	_ =	shalt  }
0x81: {  	_ =	shalt  }
0x82: {  	_ =	shalt  }
0x83: {  	_ =	shalt  }
0x84: {  	_ =	shalt  }
0x85: {  	_ =	shalt  }
0x86: {  	_ =	shalt  }
0x87: {  	_ =	shalt  }
.Lfunc_end0:
.L_simem_size_0:
called_computation_lowered:
.L_overlay_start_0:
0x88: {  	s2 =	sld [smem:$0x3FD9]  }
0x89: {  	s3 =	sld [smem:$0x3FFE];
	_ =	sdelay $0x1  }
0x8a: {  	s1 =	srdreg.scid  }
0x8b: {  	s0 =	sand.u32 $0x1, s1  }
0x8c: {  	s17 =	sshll.u32 s0, $0xA;
	s2 =	sadd.s32 s3, s2  }
0x8d: {  	s2 =	sadd.s32 s2, s17  }
0x8e: {  	[smem:$0x3FC6] =	sst s2  }
0x8f: {  	_ = 	snop  }
0x90: {  	s2 =	sld [smem:$0x3FC8]  }
0x91: {  	s18 =	sld [smem:$0x3FD0];
	(tm) =	ssettm $0x1  }
0x92: {  	s4 =	sld [smem:$0x3FFB];
	_ =	sdelay $0x3  }
0x93: {  	_ =	strace s4  }
0x94: {  	s4 =	sld [smem:$0x3FFC];
	_ =	sdelay $0x3  }
0x95: {  	_ =	strace s4  }
0x96: {  	s4 =	sld [smem:$0x3FFD];
	_ =	sdelay $0x3  }
0x97: {  	_ =	strace s4  }
0x98: {  	_ =	strace $0x8FFFFFFF  }
0x99: {  	s19 =	sld [smem:$0x3FDB];
	_ =	sdelay $0x1  }
0x9a: {  	s5 =	simm.s32 $_scs_section_size  }
0x9b: {  	s6 =	simm.s32 $_size__tile_overlayer_lowered;
	s7 =	simm.s32 $_tile_overlayer_lowered  }
0x9c: {  	s22 =	simm.s32 $0x1BFF;
	s21 =	sshll.u32 s7, $0x1;
	s4 =	sadd.s32 s5, s19  }
0x9d: {  	s8 =	simm.s32 $0x0;
	s20 =	sshll.u32 s6, $0x1;
	s6 =	sadd.s32 s21, s4  }
0x9e: {  	[timem:s8], [sflag:s22] =	dma.local [hbm:s6], s20  }
0x9f: {  	_ =	swait.ge [sflag:s22], s20  }
0xa0: {  	s5 =	ssub.s32 $0x0, s20;
	[sflag:s22] =	ssyncset.done $0x0  }
0xa1: {  	[sflag:s22] =	ssyncadd.s32 s5;
	_ =	sdelay $0x1  }
0xa2: {  	s23 =	simm.s32 $0x1B8B  }
0xa3: {  	_ =	swait.ge [sflag:s23], $0x1  }
0xa4: {  	[sflag:s23] =	ssyncset.done $0x0  }
0xa5: {  	s25 =	simm.s32 $0x1B8E;
	s24 =	sld [smem:$0x3FFE];
	[sflag:s23] =	ssyncadd.s32 $0xFFFFFFFF  }
0xa6: {  	s26 =	simm.s32 $execute0_lowered;
	[smem:$0x3FD2] =	sst s25  }
0xa7: {  	s6 =	sshll.u32 s26, $0x1;
	_ =	strace $0x80000046;
	[dreg:$0x1] =	wrdreg $0xFFFFFFFF  }
0xa8: {  	s28 =	simm.s32 $_size_execute0_lowered;
	s4 =	sadd.s32 s4, s6;
	[dreg:$0x0] =	wrdreg $0x0  }
0xa9: {  	s6 =	sshll.u32 s28, $0x1;
	[dreg:$0x2] =	wrdreg s4  }
0xaa: {  	[dreg:$0x3] =	wrdreg s6  }
0xab: {  	[dreg:$0x4] =	wrdreg $0xC0  }
0xac: {  	_ =	task [dreg:s8], $0x5FFFF  }
0xad: {  	[dreg:$0x1] =	wrdreg $0xFFFFFFFF  }
0xae: {  	[dreg:$0x0] =	wrdreg $0x60  }
0xaf: {  	[dreg:$0x2] =	wrdreg s24  }
0xb0: {  	[dreg:$0x3] =	wrdreg s2  }
0xb1: {  	[dreg:$0x4] =	wrdreg s18  }
0xb2: {  	[dreg:$0x5] =	wrdreg $0x194000  }
0xb3: {  	[dreg:$0x6] =	wrdreg $0x9  }
0xb4: {  	_ =	task.clear_ibuf [dreg:s8], $0x7FFFF;
	_ =	strace $0x90000046  }
0xb5: {  	s29 =	simm.s32 $0x9;
	_ =	strace $0x80000048  }
0xb6: {  	_ =	swait.ge [sflag:s29], $0x1  }
0xb7: {  	[sflag:s29] =	ssyncadd.s32 $0xFFFFFFFF  }
0xb8: {  	_ =	strace $0x90000048  }
0xb9: {  	_ =	sfence  }
0xba: {  	s30 =	sld [smem:$0x0];
	_ =	sdelay $0x2  }
0xbb: {  	s31 =	sshll.u32 s1, $0xD;
	s1 =	sshrl.u32 s1, $0x2  }
0xbc: {  	s3 =	sand.u32 $0x4000, s31;
	s1 =	sadd.s32 s1, s30  }
0xbd: {  	s0 =	sor.u32 s3, s0;
	s1 =	sshll.u32 s1, $0x11  }
0xbe: {  	s0 =	sor.u32 s1, s0  }
0xbf: {  	s0 =	sadd.s32 $0x8F2B, s0  }
0xc0: {  	[sflag:s0] =	ssyncadd.remote.s32 $0x1  }
0xc1: {  	_ =	sfence.sel $0xFFFF  }
0xc2: {  	[dreg:$0x0] =	wrdreg $0xFFFFFFFF;
	(pc) =	sbr.abs _section_cstart, $3  }
0xc3: {  	[dreg:$0x1] =	wrdreg $0xFFFFFFFF  }
0xc4: {  	_ =	task.clear_ibuf [dreg:s8], $0x2FFFF;
	_ =	strace $0x9FFFFFFF  }
0xc5: {  	(tm) =	ssettm $0x7FFFFFFF  }
tec
execute0_lowered:
.L_overlay_start_1:
0x0: {  	(tag) =	ssettag $0x1  }
0x1: {  	s5 =	rddreg [dreg:$0x0]  }
0x2: {  	s8 =	rddreg [dreg:$0x1]  }
0x3: {  	s1 =	rddreg [dreg:$0x2]  }
0x4: {  	s3 =	rddreg [dreg:$0x3]  }
0x5: {  	s0 =	rddreg [dreg:$0x4]  }
0x6: {  	s4 =	simm.s32 $0x0;
	s6 =	srdreg.scid;
	s2 =	stileid.u32  }
0x7: {  	s15 =	simm.s32 $0x7;
	s16 =	simm.s32 $0x190;
	s17 =	simm.s32 $0x400  }
0x8: {  	s18 =	simm.s32 $0x200;
	s19 =	simm.s32 $0x3;
	s20 =	simm.s32 $0x2  }
0x9: {  	s21 =	simm.s32 $0xCC00;
	s22 =	simm.s32 $0x4;
	s23 =	simm.s32 $0x6  }
0xa: {  	s24 =	simm.s32 $0x0;
	[smem:$0x7FF] =	sst s4;
	s6 =	sand.u32 $0x1, s6  }
0xb: {  	s7 =	sshll.u32 s2, $0x1;
	s29 =	smul.u32 $0x19000, s2;
	s5 =	sadd.s32 $0x400, s5  }
0xc: {  	s30 =	smul.u32 $0xC80, s2;
	s9 =	ssub.s32 $0x2, s6;
	s6 =	sor.u32 s6, s7  }
0xd: {  	p0 =	sgt.u32 s2, $0x4;
	_ =	strace $0x80000047;
	s11 =	smul.u32 $0x1900, s6  }
0xe: {  	s10 =	sshrl.u32 s9, $0x1;
	s6 =	smul.u32 $0x6400, s6;
	s31 =	sshrl.u32 s29, $0x2  }
0xf: {  	s8 =	sadd.s32 s8, s30;
	s14 =	ssub.s32 s9, s10;
	s9 =	sadd.s32 s31, s3  }
0x10: {  	s7 =	sadd.s32 s5, s11;
	s11 =	sor.u32 $0x190, s6;
	s12 =	sor.u32 $0x258, s6  }
0x11: {  	s13 =	sor.u32 $0xC8, s6;
	s14 =	smax.u32 s14, $0x1;
	s10 =	sadd.s32 $0x32, s7  }
.LBB2_1:
0x12: {  	s25 =	simm.s32 @!p0 $0x0;
	s26 =	simm.s32 @!p0 $0x400  }
0x13: {  	[tilespmem:s26], [sflag:$0x7] =	stream.linear.gather @!p0 [hbm4b:s8+s25], $0x6400, $0x38;
	[tilespmem:$0x1B340] =	vst v63  }
0x14: {  	s25 =	simm.s32 @!p0 $0x7  }
0x15: {  	_ =	swait.ge @!p0 [sflag:s25], $0x6400  }
0x16: {  	[sflag:s25] =	ssyncset.done @!p0 $0x0  }
0x17: {  	[sflag:s25] =	ssyncadd.s32 @!p0 $0xFFFF9C00  }
0x18: {  	[spmem:s9] =	stream.linear.scatter @!p0 [tilespmem:s26], [sflag:$0x7], $0x6400, $0x38;
	[tilespmem:$0x1B340] =	vst v63  }
0x19: {  	_ =	swait.ge @!p0 [sflag:s25], $0x6400  }
0x1a: {  	[sflag:s25] =	ssyncset.done @!p0 $0x0  }
0x1b: {  	[sflag:s25] =	ssyncadd.s32 @!p0 $0xFFFF9C00  }
0x1c: {  	[bflag:$0x0] =	sbarrier.arrive $0xFFFF  }
0x1d: {  	[tilespmem:s4], [sflag:$0x7] =	stream.linear.gather [hbm4b:s7+s4], $0x190, $0x38;
	[tilespmem:$0x1B340] =	vst v63  }
0x1e: {  	_ =	swait.ge [sflag:s15], $0x190  }
0x1f: {  	[sflag:s15] =	ssyncset.done $0x0  }
0x20: {  	[sflag:s15] =	ssyncadd.s32 $0xFFFFFE70  }
0x21: {  	[tilespmem:s17], [sflag:$0x3] =	stream.indirect.gather [spmem:s3], $0x80, s4, s16, $0xb8;
	[tilespmem:$0x1B340] =	vst v63  }
0x22: {  	s25 =	simm.s32 $0x0  }
0x23: {  	[tilespmem:s18], [sflag:$0x2] =	stream.linear.gather [hbm4b:s10+s4], $0x190, $0x38;
	[tilespmem:$0x1B340] =	vst v63  }
.LBB2_2:
0x24: {  	p1 =	seq.s32 s25, $0x3F  }
0x25: {  	s26 =	smul.u32 @!p1 $0x190, s25;
	_ =	sdelay $0x1  }
0x26: {  	_ =	swait.ge [sflag:s19], $0xC800;
	s26 =	sadd.s32 @!p1 s26, s11  }
0x27: {  	[sflag:s19] =	ssyncset.done $0x0;
	s26 =	sshrl.u32 @!p1 s26, $0x2  }
0x28: {  	s28 =	simm.s32 @!p1 $0x0;
	[sflag:s19] =	ssyncadd.s32 $0xFFFF3800;
	s26 =	sadd.s32 @!p1 s5, s26  }
0x29: {  	[tilespmem:s28], [sflag:$0x1] =	stream.linear.gather @!p1 [hbm4b:s26+s28], $0x190, $0x38;
	[tilespmem:$0x1B340] =	vst v63  }
0x2a: {  	_ =	swait.ge [sflag:s20], $0x190  }
0x2b: {  	p2 =	seq.s32 s25, $0x0;
	[sflag:s20] =	ssyncset.done $0x0  }
0x2c: {  	s26 =	simm.s32 @!p2 $0x6;
	[sflag:s20] =	ssyncadd.s32 $0xFFFFFE70  }
0x2d: {  	_ =	swait.ge @!p2 [sflag:s26], $0x6400  }
0x2e: {  	[sflag:s26] =	ssyncset.done @!p2 $0x0  }
0x2f: {  	s28 =	simm.s32 $0x0;
	[sflag:s26] =	ssyncadd.s32 @!p2 $0xFFFF9C00;
	s26 =	simm.s32 $0x200  }
0x30: {  	[tilespmem:s21], [sflag:$0x4] =	stream.indirect.gather [spmem:s3], $0x80, s18, s16, $0xb8;
	[tilespmem:$0x1B340] =	vst v63  }
.LBB2_3:
0x31: {  	p2 =	sne.s32 s26, $0x18E00;
	v0 =	vld [tilespmem:s28+$0x6870]  }
0x32: {  	v1 =	vld [tilespmem:s28+$0x6800]  }
0x33: {  	v2 =	vld [tilespmem:s28+$0x6810]  }
0x34: {  	v3 =	vld [tilespmem:s28+$0x6820]  }
0x35: {  	v4 =	vld [tilespmem:s28+$0x6830]  }
0x36: {  	[tilespmem:s28+$0x470] =	vst.add.f32.msk $0xffff, v0  }
0x37: {  	v0 =	vld [tilespmem:s28+$0x6840]  }
0x38: {  	v5 =	vld [tilespmem:s28+$0x6850]  }
0x39: {  	v6 =	vld [tilespmem:s28+$0x6860]  }
0x3a: {  	[tilespmem:s28+$0x400] =	vst.add.f32.msk $0xffff, v1  }
0x3b: {  	[tilespmem:s28+$0x410] =	vst.add.f32.msk $0xffff, v2  }
.Ltmp0:
0x3c: {  	[tilespmem:s28+$0x420] =	vst.add.f32.msk $0xffff, v3;
	(pc) =	sbr.rel @p2 .LBB2_3-.Ltmp0, $4  }
0x3d: {  	[tilespmem:s28+$0x430] =	vst.add.f32.msk $0xffff, v4  }
0x3e: {  	[tilespmem:s28+$0x440] =	vst.add.f32.msk $0xffff, v0  }
0x3f: {  	[tilespmem:s28+$0x450] =	vst.add.f32.msk $0xffff, v5  }
0x40: {  	[tilespmem:s28+$0x460] =	vst.add.f32.msk $0xffff, v6;
	s28 =	sshra.s32 s26, $0x2;
	s26 =	sadd.s32 $0x200, s26  }
0x41: {  	v0 =	vld [tilespmem:s28+$0x6870]  }
0x42: {  	v1 =	vld [tilespmem:s28+$0x6800]  }
0x43: {  	v2 =	vld [tilespmem:s28+$0x6810]  }
0x44: {  	v3 =	vld [tilespmem:s28+$0x6820]  }
0x45: {  	v4 =	vld [tilespmem:s28+$0x6830]  }
0x46: {  	v63 =	vld [tilespmem:s28+$0x6840]  }
0x47: {  	v5 =	vld [tilespmem:s28+$0x6850]  }
0x48: {  	v6 =	vld [tilespmem:s28+$0x6860]  }
0x49: {  	[tilespmem:s28+$0x470] =	vst.add.f32.msk $0xffff, v0  }
0x4a: {  	[tilespmem:s28+$0x400] =	vst.add.f32.msk $0xffff, v1  }
0x4b: {  	[tilespmem:s28+$0x410] =	vst.add.f32.msk $0xffff, v2  }
0x4c: {  	s26 =	smul.u32 $0x190, s25;
	[tilespmem:s28+$0x420] =	vst.add.f32.msk $0xffff, v3  }
0x4d: {  	[tilespmem:s28+$0x430] =	vst.add.f32.msk $0xffff, v4  }
0x4e: {  	s29 =	sadd.s32 s6, s26;
	[tilespmem:s28+$0x440] =	vst.add.f32.msk $0xffff, v63  }
0x4f: {  	s29 =	sshll.u32 s29, $0x4;
	[tilespmem:s28+$0x450] =	vst.add.f32.msk $0xffff, v5  }
0x50: {  	[tilespmem:s28+$0x460] =	vst.add.f32.msk $0xffff, v6;
	s28 =	sadd.s32 s1, s29  }
0x51: {  	[hbm4b:s28+s4] =	stream.linear.scatter [tilespmem:s17], [sflag:$0x5], $0x6400, $0x38;
	[tilespmem:$0x1B340] =	vst v63  }
0x52: {  	s28 =	sadd.s32 @!p1 s26, s12;
	_ =	swait.ge [sflag:s22], $0xC800  }
0x53: {  	s30 =	simm.s32 @!p1 $0x200;
	s28 =	sshrl.u32 @!p1 s28, $0x2;
	[sflag:s22] =	ssyncset.done $0x0  }
0x54: {  	s29 =	simm.s32 @!p1 $0x0;
	s28 =	sadd.s32 @!p1 s5, s28;
	[sflag:s22] =	ssyncadd.s32 $0xFFFF3800  }
0x55: {  	[tilespmem:s30], [sflag:$0x2] =	stream.linear.gather @!p1 [hbm4b:s28+s29], $0x190, $0x38;
	[tilespmem:$0x1B340] =	vst v63  }
0x56: {  	s28 =	simm.s32 @!p1 $0x1  }
0x57: {  	_ =	swait.ge @!p1 [sflag:s28], $0x190  }
0x58: {  	[sflag:s28] =	ssyncset.done @!p1 $0x0  }
0x59: {  	[sflag:s28] =	ssyncadd.s32 @!p1 $0xFFFFFE70;
	s28 =	simm.s32 @!p1 $0x5  }
0x5a: {  	_ =	swait.ge @!p1 [sflag:s28], $0x6400  }
0x5b: {  	[sflag:s28] =	ssyncset.done @!p1 $0x0  }
0x5c: {  	s30 =	simm.s32 @!p1 $0x400;
	[sflag:s28] =	ssyncadd.s32 @!p1 $0xFFFF9C00;
	s28 =	simm.s32 @!p1 $0x190  }
0x5d: {  	[tilespmem:s30], [sflag:$0x3] =	stream.indirect.gather @!p1 [spmem:s3], $0x80, s29, s28, $0xb8;
	[tilespmem:$0x1B340] =	vst v63  }
0x5e: {  	s28 =	simm.s32 $0x0;
	s29 =	simm.s32 $0x200  }
.LBB2_5:
0x5f: {  	p1 =	sne.s32 s29, $0x18E00;
	v0 =	vld [tilespmem:s28+$0x13070]  }
0x60: {  	v1 =	vld [tilespmem:s28+$0x13000]  }
0x61: {  	v2 =	vld [tilespmem:s28+$0x13010]  }
0x62: {  	v3 =	vld [tilespmem:s28+$0x13020]  }
0x63: {  	v4 =	vld [tilespmem:s28+$0x13030]  }
0x64: {  	[tilespmem:s28+$0xCC70] =	vst.add.f32.msk $0xffff, v0  }
0x65: {  	v0 =	vld [tilespmem:s28+$0x13040]  }
0x66: {  	v5 =	vld [tilespmem:s28+$0x13050]  }
0x67: {  	v6 =	vld [tilespmem:s28+$0x13060]  }
0x68: {  	[tilespmem:s28+$0xCC00] =	vst.add.f32.msk $0xffff, v1  }
0x69: {  	[tilespmem:s28+$0xCC10] =	vst.add.f32.msk $0xffff, v2  }
.Ltmp1:
0x6a: {  	[tilespmem:s28+$0xCC20] =	vst.add.f32.msk $0xffff, v3;
	(pc) =	sbr.rel @p1 .LBB2_5-.Ltmp1, $4  }
0x6b: {  	[tilespmem:s28+$0xCC30] =	vst.add.f32.msk $0xffff, v4  }
0x6c: {  	[tilespmem:s28+$0xCC40] =	vst.add.f32.msk $0xffff, v0  }
0x6d: {  	[tilespmem:s28+$0xCC50] =	vst.add.f32.msk $0xffff, v5  }
0x6e: {  	[tilespmem:s28+$0xCC60] =	vst.add.f32.msk $0xffff, v6;
	s28 =	sshra.s32 s29, $0x2;
	s29 =	sadd.s32 $0x200, s29  }
0x6f: {  	v0 =	vld [tilespmem:s28+$0x13070]  }
0x70: {  	v1 =	vld [tilespmem:s28+$0x13000]  }
0x71: {  	v2 =	vld [tilespmem:s28+$0x13010]  }
0x72: {  	v3 =	vld [tilespmem:s28+$0x13020]  }
0x73: {  	v4 =	vld [tilespmem:s28+$0x13030]  }
0x74: {  	v63 =	vld [tilespmem:s28+$0x13040]  }
0x75: {  	v5 =	vld [tilespmem:s28+$0x13050]  }
0x76: {  	v6 =	vld [tilespmem:s28+$0x13060]  }
0x77: {  	[tilespmem:s28+$0xCC70] =	vst.add.f32.msk $0xffff, v0  }
0x78: {  	[tilespmem:s28+$0xCC00] =	vst.add.f32.msk $0xffff, v1  }
0x79: {  	s25 =	sadd.s32 $0x1, s25;
	[tilespmem:s28+$0xCC10] =	vst.add.f32.msk $0xffff, v2  }
0x7a: {  	p1 =	sne.s32 s25, $0x40;
	[tilespmem:s28+$0xCC20] =	vst.add.f32.msk $0xffff, v3  }
.Ltmp2:
0x7b: {  	[tilespmem:s28+$0xCC30] =	vst.add.f32.msk $0xffff, v4;
	(pc) =	sbr.rel @p1 .LBB2_2-.Ltmp2, $4  }
0x7c: {  	s26 =	sadd.s32 s26, s13;
	[tilespmem:s28+$0xCC40] =	vst.add.f32.msk $0xffff, v63  }
0x7d: {  	s26 =	sshll.u32 s26, $0x4;
	[tilespmem:s28+$0xCC50] =	vst.add.f32.msk $0xffff, v5  }
0x7e: {  	s26 =	sadd.s32 s1, s26;
	[tilespmem:s28+$0xCC60] =	vst.add.f32.msk $0xffff, v6  }
0x7f: {  	[hbm4b:s26+s4] =	stream.linear.scatter [tilespmem:s21], [sflag:$0x6], $0x6400, $0x38;
	[tilespmem:$0x1B340] =	vst v63  }
0x80: {  	s24 =	sadd.s32 $0x1, s24  }
0x81: {  	p1 =	sne.s32 s24, s14  }
.Ltmp3:
0x82: {  	_ = 	snop;
	(pc) =	sbr.rel @p1 .LBB2_1-.Ltmp3, $4  }
0x83: {  	_ = 	snop  }
0x84: {  	_ =	swait.ge [sflag:s23], $0x6400  }
0x85: {  	[sflag:s23] =	ssyncset.done $0x0  }
0x86: {  	[sflag:s23] =	ssyncadd.s32 $0xFFFF9C00  }
0x87: {  	_ =	sfence.sel $0x180000  }
0x88: {  	[bflag:$0x0] =	sbarrier.arrive $0xFFFF  }
0x89: {  	p0 =	sne.s32 s2, $0x0;
	_ =	strace $0x90000047  }
0x8a: {  	s0 =	sadd.s32 @!p0 $0x100000, s0;
	[bflag:$0x2] =	sbarrier.arrive $0xFFFF  }
0x8b: {  	[sflag:s0] =	ssyncadd.tile.s32 @!p0 $0x1;
	_ =	shalt  }
.Lfunc_end2:
_tile_overlayer_lowered:
.L_overlay_start_2:
0x8c: {  	(tag) =	ssettag $0x2  }
0x8d: {  	s0 =	rddreg [dreg:$0x0];
	s2 =	stileid.u32  }
0x8e: {  	s1 =	rddreg [dreg:$0x1];
	p0 =	sne.s32 s2, $0x0  }
0x8f: {  	s3 =	rddreg [dreg:$0x2];
	[bflag:$0x3] =	sbarrier.arrive $0xFFFF;
	s2 =	simm.s32 @!p0 $0x1C07  }
0x90: {  	[timem:s3], [sflag:s2] =	dma.local @!p0 [hbm:s0], s1  }
0x91: {  	s0 =	simm.s32 @!p0 $0x7  }
0x92: {  	_ =	swait.ge @!p0 [sflag:s0], s1  }
0x93: {  	s1 =	ssub.s32 @!p0 $0x0, s1;
	[sflag:s0] =	ssyncset.done @!p0 $0x0  }
0x94: {  	[sflag:s0] =	ssyncadd.s32 @!p0 s1  }
0x95: {  	[bflag:$0x3] =	sbarrier.arrive $0xFFFF  }
0x96: {  	_ =	shalt  }

</sc_bundles>
